<compile_context>
chip_gen: v7x
topology: tpu7x:2x2x1
jax: 0.10.2.dev20260603
libtpu: 0.0.44.dev20260713+nightly
codegen_flags: <defaults>
</compile_context>

<pallas_src>
import functools

import jax
import jax.numpy as jnp
from jax import lax
from jax.experimental import pallas as pl
from jax.experimental.pallas import tpu as pltpu
from jax.experimental.pallas import tpu_sc as plsc

DIM = 64
BATCH = 4096
NUM_ROWS = 100000
BLKC = 25600
NUM_ROWS_PAD = 4 * BLKC
NC = 2
NS = 16
L = 16
NW = NC * NS
BPW = BATCH // NW


def _tc_matvec(tt_ref, w_ref, u_ref, b_ref, s_ref):
    c = jnp.sum(u_ref[:] * w_ref[pl.ds(0, DIM)]) + b_ref[0]
    w2 = w_ref[pl.ds(DIM, DIM)]
    s2d = lax.dot_general(w2.reshape(1, DIM), tt_ref[:],
                          (((1,), (0,)), ((), ())),
                          preferred_element_type=jnp.float32,
                          precision=lax.Precision.HIGHEST)
    s_ref[...] = (s2d + c).reshape(BLKC // 128, 128)


def _sc_lookup(idx_hbm, s2_hbm, out_hbm, idx_v, hi_v, rows_v, out_v, sem):
    wid = lax.axis_index("s") * NC + lax.axis_index("c")
    base = wid * BPW

    pltpu.sync_copy(idx_hbm.at[pl.ds(base, BPW)], idx_v)
    for k in range(BPW // L):
        hi_v[pl.ds(k * L, L)] = lax.shift_right_logical(idx_v[pl.ds(k * L, L)], 4)
    pltpu.async_copy(s2_hbm.at[hi_v], rows_v, sem).wait()

    lane = lax.iota(jnp.int32, L)
    for g in range(BPW // L):
        col = idx_v[pl.ds(g * L, L)] & 15
        out_v[pl.ds(g * L, L)] = plsc.load_gather(rows_v, [g * L + lane, col])

    pltpu.sync_copy(out_v, out_hbm.at[pl.ds(base, BPW)])


@jax.jit
def kernel(item_idx, user_emb, item_emb, fc_w, fc_b):
    s = pl.pallas_call(
        _tc_matvec,
        grid=(4,),
        in_specs=[
            pl.BlockSpec((DIM, BLKC), lambda i: (0, i)),
            pl.BlockSpec((2 * DIM,), lambda i: (0,)),
            pl.BlockSpec((DIM,), lambda i: (0,)),
            pl.BlockSpec((1,), lambda i: (0,)),
        ],
        out_specs=pl.BlockSpec((BLKC // 128, 128), lambda i: (i, 0)),
        out_shape=jax.ShapeDtypeStruct((4 * BLKC // 128, 128), jnp.float32),
    )(item_emb.T, fc_w.reshape(2 * DIM), user_emb.reshape(DIM), fc_b)

    mesh = plsc.VectorSubcoreMesh(core_axis_name="c", subcore_axis_name="s")
    lookup = functools.partial(
        pl.kernel,
        mesh=mesh,
        compiler_params=pltpu.CompilerParams(needs_layout_passes=False,
                                             use_tc_tiling_on_sc=False),
        out_type=jax.ShapeDtypeStruct((BATCH,), jnp.float32),
        scratch_types=[
            pltpu.VMEM((BPW,), jnp.int32),
            pltpu.VMEM((BPW,), jnp.int32),
            pltpu.VMEM((BPW, L), jnp.float32),
            pltpu.VMEM((BPW,), jnp.float32),
            pltpu.SemaphoreType.DMA,
        ],
    )(_sc_lookup)
    out = lookup(item_idx.astype(jnp.int32), s.reshape(NUM_ROWS_PAD // L, L))
    return out.reshape(BATCH, 1)

# --- scband reference (transcript-rebuilt; emitter-appended) ---
"""Pipeline reference for scband-mlp-66116726555382 (READ-ONLY COPY).

The authoritative reference and input builder live on the scoring server;
editing this copy changes nothing except your own understanding.
"""

import jax, jax.numpy as jnp
import numpy as np

NUM_ITEM = 100000
DIM = 64
BATCH = 4096

def setup_inputs(seed: int = 0) -> dict:
    key = jax.random.key(seed)
    k1, k2, k3, k4, k5 = jax.random.split(key, 5)
    item_idx = jax.random.randint(k1, (BATCH,), 0, NUM_ITEM)
    user_emb = jax.random.normal(k2, (1, DIM), dtype=jnp.float32)
    item_emb = jax.random.normal(k3, (NUM_ITEM, DIM), dtype=jnp.float32)
    fc_w = jax.random.normal(k4, (2 * DIM, 1), dtype=jnp.float32) * 0.05
    fc_b = jax.random.normal(k5, (1,), dtype=jnp.float32) * 0.05
    return {"item_idx": item_idx, "user_emb": user_emb, "item_emb": item_emb, "fc_w": fc_w, "fc_b": fc_b}

def reference(item_idx, user_emb, item_emb, fc_w, fc_b):
    # user_emb.weight.expand(len(item_idx), -1)
    u = jnp.broadcast_to(user_emb, (item_idx.shape[0], user_emb.shape[1]))
    # item_emb(item_idx) -> gather rows
    it = jnp.take(item_emb, item_idx, axis=0)
    vector = jnp.concatenate([u, it], axis=-1)
    logit = vector @ fc_w + fc_b
    return logit

if __name__ == "__main__":
    import jax
    _d = setup_inputs()
    print(jax.jit(kernel)(*tuple(_d.values())))

</pallas_src>

<mosaic_0001>
#map = affine_map<(d0, d1) -> (0)>
#map1 = affine_map<(d0, d1) -> (0, 0)>
module attributes {stable_mosaic.version = 14 : i64} {
  func.func @_sc_lookup(%arg0: i32, %arg1: i32, %arg2: memref<4096xi32, #tpu.memory_space<hbm>>, %arg3: memref<6400x16xf32, #tpu.memory_space<hbm>>, %arg4: memref<4096xf32, #tpu.memory_space<hbm>>, %arg5: memref<128xi32, #tpu.memory_space<vmem>>, %arg6: memref<128xi32, #tpu.memory_space<vmem>>, %arg7: memref<128x16xf32, #tpu.memory_space<vmem>>, %arg8: memref<128xf32, #tpu.memory_space<vmem>>, %arg9: memref<!tpu.dma_semaphore, #tpu.memory_space<semaphore_mem>>) attributes {dimension_semantics = [#tpu.dimension_semantics<core_parallel>, #tpu.dimension_semantics<subcore_parallel>], iteration_bounds = array<i64: 2, 16>, scalar_prefetch = 0 : i64, scratch_operands = 5 : i64, tpu.core_type = #tpu.core_type<sc_vector_subcore>, window_params = [{transform_indices = #map}, {transform_indices = #map1}, {transform_indices = #map}]} {
    %mul3A = arith.constant 2 : i32
    %mul3A_0 = arith.muli %arg1, %mul3A : i32
    %add3A = arith.addi %mul3A_0, %arg0 : i32
    %mul3A_1 = arith.constant 128 : i32
    %mul3A_2 = arith.muli %add3A, %mul3A_1 : i32
    "tpu.region"() ({
      %run_scoped3A = tpu.sem_alloc : memref<!tpu.dma_semaphore, #tpu.memory_space<semaphore_mem>>
      %dma_start3A_146 = tpu.memref_slice %arg2[%mul3A_2] : memref<4096xi32, #tpu.memory_space<hbm>> -> memref<128xi32, #tpu.memory_space<hbm>>
      %dma_start3A_147 = tpu.memref_slice %arg2[%mul3A_2] : memref<4096xi32, #tpu.memory_space<hbm>> -> memref<128xi32, #tpu.memory_space<hbm>>
      tpu.enqueue_dma source(%dma_start3A_147 : memref<128xi32, #tpu.memory_space<hbm>>) target(%arg5 : memref<128xi32, #tpu.memory_space<vmem>>) target_semaphore(%run_scoped3A : memref<!tpu.dma_semaphore, #tpu.memory_space<semaphore_mem>>)
      %dma_wait3A_148 = tpu.memref_slice %arg2[%mul3A_2] : memref<4096xi32, #tpu.memory_space<hbm>> -> memref<128xi32, #tpu.memory_space<hbm>>
      %dma_wait3A_149 = tpu.memref_slice %arg2[%mul3A_2] : memref<4096xi32, #tpu.memory_space<hbm>> -> memref<128xi32, #tpu.memory_space<hbm>>
      tpu.wait_dma2 semaphore(%run_scoped3A : memref<!tpu.dma_semaphore, #tpu.memory_space<semaphore_mem>>) src(%dma_wait3A_149 : memref<128xi32, #tpu.memory_space<hbm>>) dst(%arg5 : memref<128xi32, #tpu.memory_space<vmem>>)
      tpu.yield
    }) : () -> ()
    %get3A = arith.constant 0 : index
    %get3A_3 = tpu.vector_load %arg5[%get3A] {strides = array<i32>} : memref<128xi32, #tpu.memory_space<vmem>>, vector<16xi32>,
    %shift_right_logical3A = arith.constant 4 : i32
    %shift_right_logical3A_4 = vector.broadcast %shift_right_logical3A : i32 to vector<16xi32>
    %shift_right_logical3A_5 = arith.shrui %get3A_3, %shift_right_logical3A_4 : vector<16xi32>
    %swap3A = arith.constant 0 : index
    %swap3A_6 = tpu.vector_load %arg6[%swap3A] {strides = array<i32>} : memref<128xi32, #tpu.memory_space<vmem>>, vector<16xi32>,
    tpu.vector_store %arg6[%swap3A], %shift_right_logical3A_5 {strides = array<i32>} : memref<128xi32, #tpu.memory_space<vmem>>, vector<16xi32>,
    %get3A_7 = arith.constant 16 : index
    %get3A_8 = tpu.vector_load %arg5[%get3A_7] {strides = array<i32>} : memref<128xi32, #tpu.memory_space<vmem>>, vector<16xi32>,
    %shift_right_logical3A_9 = arith.constant 4 : i32
    %shift_right_logical3A_10 = vector.broadcast %shift_right_logical3A_9 : i32 to vector<16xi32>
    %shift_right_logical3A_11 = arith.shrui %get3A_8, %shift_right_logical3A_10 : vector<16xi32>
    %swap3A_12 = arith.constant 16 : index
    %swap3A_13 = tpu.vector_load %arg6[%swap3A_12] {strides = array<i32>} : memref<128xi32, #tpu.memory_space<vmem>>, vector<16xi32>,
    tpu.vector_store %arg6[%swap3A_12], %shift_right_logical3A_11 {strides = array<i32>} : memref<128xi32, #tpu.memory_space<vmem>>, vector<16xi32>,
    %get3A_14 = arith.constant 32 : index
    %get3A_15 = tpu.vector_load %arg5[%get3A_14] {strides = array<i32>} : memref<128xi32, #tpu.memory_space<vmem>>, vector<16xi32>,
    %shift_right_logical3A_16 = arith.constant 4 : i32
    %shift_right_logical3A_17 = vector.broadcast %shift_right_logical3A_16 : i32 to vector<16xi32>
    %shift_right_logical3A_18 = arith.shrui %get3A_15, %shift_right_logical3A_17 : vector<16xi32>
    %swap3A_19 = arith.constant 32 : index
    %swap3A_20 = tpu.vector_load %arg6[%swap3A_19] {strides = array<i32>} : memref<128xi32, #tpu.memory_space<vmem>>, vector<16xi32>,
    tpu.vector_store %arg6[%swap3A_19], %shift_right_logical3A_18 {strides = array<i32>} : memref<128xi32, #tpu.memory_space<vmem>>, vector<16xi32>,
    %get3A_21 = arith.constant 48 : index
    %get3A_22 = tpu.vector_load %arg5[%get3A_21] {strides = array<i32>} : memref<128xi32, #tpu.memory_space<vmem>>, vector<16xi32>,
    %shift_right_logical3A_23 = arith.constant 4 : i32
    %shift_right_logical3A_24 = vector.broadcast %shift_right_logical3A_23 : i32 to vector<16xi32>
    %shift_right_logical3A_25 = arith.shrui %get3A_22, %shift_right_logical3A_24 : vector<16xi32>
    %swap3A_26 = arith.constant 48 : index
    %swap3A_27 = tpu.vector_load %arg6[%swap3A_26] {strides = array<i32>} : memref<128xi32, #tpu.memory_space<vmem>>, vector<16xi32>,
    tpu.vector_store %arg6[%swap3A_26], %shift_right_logical3A_25 {strides = array<i32>} : memref<128xi32, #tpu.memory_space<vmem>>, vector<16xi32>,
    %get3A_28 = arith.constant 64 : index
    %get3A_29 = tpu.vector_load %arg5[%get3A_28] {strides = array<i32>} : memref<128xi32, #tpu.memory_space<vmem>>, vector<16xi32>,
    %shift_right_logical3A_30 = arith.constant 4 : i32
    %shift_right_logical3A_31 = vector.broadcast %shift_right_logical3A_30 : i32 to vector<16xi32>
    %shift_right_logical3A_32 = arith.shrui %get3A_29, %shift_right_logical3A_31 : vector<16xi32>
    %swap3A_33 = arith.constant 64 : index
    %swap3A_34 = tpu.vector_load %arg6[%swap3A_33] {strides = array<i32>} : memref<128xi32, #tpu.memory_space<vmem>>, vector<16xi32>,
    tpu.vector_store %arg6[%swap3A_33], %shift_right_logical3A_32 {strides = array<i32>} : memref<128xi32, #tpu.memory_space<vmem>>, vector<16xi32>,
    %get3A_35 = arith.constant 80 : index
    %get3A_36 = tpu.vector_load %arg5[%get3A_35] {strides = array<i32>} : memref<128xi32, #tpu.memory_space<vmem>>, vector<16xi32>,
    %shift_right_logical3A_37 = arith.constant 4 : i32
    %shift_right_logical3A_38 = vector.broadcast %shift_right_logical3A_37 : i32 to vector<16xi32>
    %shift_right_logical3A_39 = arith.shrui %get3A_36, %shift_right_logical3A_38 : vector<16xi32>
    %swap3A_40 = arith.constant 80 : index
    %swap3A_41 = tpu.vector_load %arg6[%swap3A_40] {strides = array<i32>} : memref<128xi32, #tpu.memory_space<vmem>>, vector<16xi32>,
    tpu.vector_store %arg6[%swap3A_40], %shift_right_logical3A_39 {strides = array<i32>} : memref<128xi32, #tpu.memory_space<vmem>>, vector<16xi32>,
    %get3A_42 = arith.constant 96 : index
    %get3A_43 = tpu.vector_load %arg5[%get3A_42] {strides = array<i32>} : memref<128xi32, #tpu.memory_space<vmem>>, vector<16xi32>,
    %shift_right_logical3A_44 = arith.constant 4 : i32
    %shift_right_logical3A_45 = vector.broadcast %shift_right_logical3A_44 : i32 to vector<16xi32>
    %shift_right_logical3A_46 = arith.shrui %get3A_43, %shift_right_logical3A_45 : vector<16xi32>
    %swap3A_47 = arith.constant 96 : index
    %swap3A_48 = tpu.vector_load %arg6[%swap3A_47] {strides = array<i32>} : memref<128xi32, #tpu.memory_space<vmem>>, vector<16xi32>,
    tpu.vector_store %arg6[%swap3A_47], %shift_right_logical3A_46 {strides = array<i32>} : memref<128xi32, #tpu.memory_space<vmem>>, vector<16xi32>,
    %get3A_49 = arith.constant 112 : index
    %get3A_50 = tpu.vector_load %arg5[%get3A_49] {strides = array<i32>} : memref<128xi32, #tpu.memory_space<vmem>>, vector<16xi32>,
    %shift_right_logical3A_51 = arith.constant 4 : i32
    %shift_right_logical3A_52 = vector.broadcast %shift_right_logical3A_51 : i32 to vector<16xi32>
    %shift_right_logical3A_53 = arith.shrui %get3A_50, %shift_right_logical3A_52 : vector<16xi32>
    %swap3A_54 = arith.constant 112 : index
    %swap3A_55 = tpu.vector_load %arg6[%swap3A_54] {strides = array<i32>} : memref<128xi32, #tpu.memory_space<vmem>>, vector<16xi32>,
    tpu.vector_store %arg6[%swap3A_54], %shift_right_logical3A_53 {strides = array<i32>} : memref<128xi32, #tpu.memory_space<vmem>>, vector<16xi32>,
    %dma_start3A = arith.constant 0 : i32
    %dma_start3A_56 = arith.constant 0 : i32
    %dma_start3A_57 = tpu.memref_slice %arg3[%dma_start3A, %dma_start3A_56] : memref<6400x16xf32, #tpu.memory_space<hbm>> -> memref<6400x16xf32, #tpu.memory_space<hbm>>
    tpu.enqueue_indirect_dma source(%dma_start3A_57 : memref<6400x16xf32, #tpu.memory_space<hbm>>) target(%arg7 : memref<128x16xf32, #tpu.memory_space<vmem>>) offsets(%arg6 : memref<128xi32, #tpu.memory_space<vmem>>) semaphore(%arg9 : memref<!tpu.dma_semaphore, #tpu.memory_space<semaphore_mem>>)
    %dma_wait3A = arith.constant 0 : i32
    %dma_wait3A_58 = arith.constant 0 : i32
    %dma_wait3A_59 = tpu.memref_slice %arg3[%dma_wait3A, %dma_wait3A_58] : memref<6400x16xf32, #tpu.memory_space<hbm>> -> memref<6400x16xf32, #tpu.memory_space<hbm>>
    tpu.wait_indirect_dma semaphore(%arg9 : memref<!tpu.dma_semaphore, #tpu.memory_space<semaphore_mem>>) src(%dma_wait3A_59 : memref<6400x16xf32, #tpu.memory_space<hbm>>) dst(%arg7 : memref<128x16xf32, #tpu.memory_space<vmem>>)
    %iota3A = tpu.iota {dimensions = array<i32: 0>} : vector<16xi32>
    %get3A_60 = arith.constant 0 : index
    %get3A_61 = tpu.vector_load %arg5[%get3A_60] {strides = array<i32>} : memref<128xi32, #tpu.memory_space<vmem>>, vector<16xi32>,
    %and3A = arith.constant 15 : i32
    %and3A_62 = vector.broadcast %and3A : i32 to vector<16xi32>
    %and3A_63 = arith.andi %get3A_61, %and3A_62 : vector<16xi32>
    %add3A_64 = arith.constant 0 : i32
    %add3A_65 = vector.broadcast %add3A_64 : i32 to vector<16xi32>
    %add3A_66 = arith.addi %add3A_65, %iota3A : vector<16xi32>
    %gather3A = tpu.vector_load_idx %arg7[%add3A_66, %and3A_63] : memref<128x16xf32, #tpu.memory_space<vmem>>[vector<16xi32>, vector<16xi32>], vector<16xf32>,
    %swap3A_67 = arith.constant 0 : index
    %swap3A_68 = tpu.vector_load %arg8[%swap3A_67] {strides = array<i32>} : memref<128xf32, #tpu.memory_space<vmem>>, vector<16xf32>,
    tpu.vector_store %arg8[%swap3A_67], %gather3A {strides = array<i32>} : memref<128xf32, #tpu.memory_space<vmem>>, vector<16xf32>,
    %get3A_69 = arith.constant 16 : index
    %get3A_70 = tpu.vector_load %arg5[%get3A_69] {strides = array<i32>} : memref<128xi32, #tpu.memory_space<vmem>>, vector<16xi32>,
    %and3A_71 = arith.constant 15 : i32
    %and3A_72 = vector.broadcast %and3A_71 : i32 to vector<16xi32>
    %and3A_73 = arith.andi %get3A_70, %and3A_72 : vector<16xi32>
    %add3A_74 = arith.constant 16 : i32
    %add3A_75 = vector.broadcast %add3A_74 : i32 to vector<16xi32>
    %add3A_76 = arith.addi %add3A_75, %iota3A : vector<16xi32>
    %gather3A_77 = tpu.vector_load_idx %arg7[%add3A_76, %and3A_73] : memref<128x16xf32, #tpu.memory_space<vmem>>[vector<16xi32>, vector<16xi32>], vector<16xf32>,
    %swap3A_78 = arith.constant 16 : index
    %swap3A_79 = tpu.vector_load %arg8[%swap3A_78] {strides = array<i32>} : memref<128xf32, #tpu.memory_space<vmem>>, vector<16xf32>,
    tpu.vector_store %arg8[%swap3A_78], %gather3A_77 {strides = array<i32>} : memref<128xf32, #tpu.memory_space<vmem>>, vector<16xf32>,
    %get3A_80 = arith.constant 32 : index
    %get3A_81 = tpu.vector_load %arg5[%get3A_80] {strides = array<i32>} : memref<128xi32, #tpu.memory_space<vmem>>, vector<16xi32>,
    %and3A_82 = arith.constant 15 : i32
    %and3A_83 = vector.broadcast %and3A_82 : i32 to vector<16xi32>
    %and3A_84 = arith.andi %get3A_81, %and3A_83 : vector<16xi32>
    %add3A_85 = arith.constant 32 : i32
    %add3A_86 = vector.broadcast %add3A_85 : i32 to vector<16xi32>
    %add3A_87 = arith.addi %add3A_86, %iota3A : vector<16xi32>
    %gather3A_88 = tpu.vector_load_idx %arg7[%add3A_87, %and3A_84] : memref<128x16xf32, #tpu.memory_space<vmem>>[vector<16xi32>, vector<16xi32>], vector<16xf32>,
    %swap3A_89 = arith.constant 32 : index
    %swap3A_90 = tpu.vector_load %arg8[%swap3A_89] {strides = array<i32>} : memref<128xf32, #tpu.memory_space<vmem>>, vector<16xf32>,
    tpu.vector_store %arg8[%swap3A_89], %gather3A_88 {strides = array<i32>} : memref<128xf32, #tpu.memory_space<vmem>>, vector<16xf32>,
    %get3A_91 = arith.constant 48 : index
    %get3A_92 = tpu.vector_load %arg5[%get3A_91] {strides = array<i32>} : memref<128xi32, #tpu.memory_space<vmem>>, vector<16xi32>,
    %and3A_93 = arith.constant 15 : i32
    %and3A_94 = vector.broadcast %and3A_93 : i32 to vector<16xi32>
    %and3A_95 = arith.andi %get3A_92, %and3A_94 : vector<16xi32>
    %add3A_96 = arith.constant 48 : i32
    %add3A_97 = vector.broadcast %add3A_96 : i32 to vector<16xi32>
    %add3A_98 = arith.addi %add3A_97, %iota3A : vector<16xi32>
    %gather3A_99 = tpu.vector_load_idx %arg7[%add3A_98, %and3A_95] : memref<128x16xf32, #tpu.memory_space<vmem>>[vector<16xi32>, vector<16xi32>], vector<16xf32>,
    %swap3A_100 = arith.constant 48 : index
    %swap3A_101 = tpu.vector_load %arg8[%swap3A_100] {strides = array<i32>} : memref<128xf32, #tpu.memory_space<vmem>>, vector<16xf32>,
    tpu.vector_store %arg8[%swap3A_100], %gather3A_99 {strides = array<i32>} : memref<128xf32, #tpu.memory_space<vmem>>, vector<16xf32>,
    %get3A_102 = arith.constant 64 : index
    %get3A_103 = tpu.vector_load %arg5[%get3A_102] {strides = array<i32>} : memref<128xi32, #tpu.memory_space<vmem>>, vector<16xi32>,
    %and3A_104 = arith.constant 15 : i32
    %and3A_105 = vector.broadcast %and3A_104 : i32 to vector<16xi32>
    %and3A_106 = arith.andi %get3A_103, %and3A_105 : vector<16xi32>
    %add3A_107 = arith.constant 64 : i32
    %add3A_108 = vector.broadcast %add3A_107 : i32 to vector<16xi32>
    %add3A_109 = arith.addi %add3A_108, %iota3A : vector<16xi32>
    %gather3A_110 = tpu.vector_load_idx %arg7[%add3A_109, %and3A_106] : memref<128x16xf32, #tpu.memory_space<vmem>>[vector<16xi32>, vector<16xi32>], vector<16xf32>,
    %swap3A_111 = arith.constant 64 : index
    %swap3A_112 = tpu.vector_load %arg8[%swap3A_111] {strides = array<i32>} : memref<128xf32, #tpu.memory_space<vmem>>, vector<16xf32>,
    tpu.vector_store %arg8[%swap3A_111], %gather3A_110 {strides = array<i32>} : memref<128xf32, #tpu.memory_space<vmem>>, vector<16xf32>,
    %get3A_113 = arith.constant 80 : index
    %get3A_114 = tpu.vector_load %arg5[%get3A_113] {strides = array<i32>} : memref<128xi32, #tpu.memory_space<vmem>>, vector<16xi32>,
    %and3A_115 = arith.constant 15 : i32
    %and3A_116 = vector.broadcast %and3A_115 : i32 to vector<16xi32>
    %and3A_117 = arith.andi %get3A_114, %and3A_116 : vector<16xi32>
    %add3A_118 = arith.constant 80 : i32
    %add3A_119 = vector.broadcast %add3A_118 : i32 to vector<16xi32>
    %add3A_120 = arith.addi %add3A_119, %iota3A : vector<16xi32>
    %gather3A_121 = tpu.vector_load_idx %arg7[%add3A_120, %and3A_117] : memref<128x16xf32, #tpu.memory_space<vmem>>[vector<16xi32>, vector<16xi32>], vector<16xf32>,
    %swap3A_122 = arith.constant 80 : index
    %swap3A_123 = tpu.vector_load %arg8[%swap3A_122] {strides = array<i32>} : memref<128xf32, #tpu.memory_space<vmem>>, vector<16xf32>,
    tpu.vector_store %arg8[%swap3A_122], %gather3A_121 {strides = array<i32>} : memref<128xf32, #tpu.memory_space<vmem>>, vector<16xf32>,
    %get3A_124 = arith.constant 96 : index
    %get3A_125 = tpu.vector_load %arg5[%get3A_124] {strides = array<i32>} : memref<128xi32, #tpu.memory_space<vmem>>, vector<16xi32>,
    %and3A_126 = arith.constant 15 : i32
    %and3A_127 = vector.broadcast %and3A_126 : i32 to vector<16xi32>
    %and3A_128 = arith.andi %get3A_125, %and3A_127 : vector<16xi32>
    %add3A_129 = arith.constant 96 : i32
    %add3A_130 = vector.broadcast %add3A_129 : i32 to vector<16xi32>
    %add3A_131 = arith.addi %add3A_130, %iota3A : vector<16xi32>
    %gather3A_132 = tpu.vector_load_idx %arg7[%add3A_131, %and3A_128] : memref<128x16xf32, #tpu.memory_space<vmem>>[vector<16xi32>, vector<16xi32>], vector<16xf32>,
    %swap3A_133 = arith.constant 96 : index
    %swap3A_134 = tpu.vector_load %arg8[%swap3A_133] {strides = array<i32>} : memref<128xf32, #tpu.memory_space<vmem>>, vector<16xf32>,
    tpu.vector_store %arg8[%swap3A_133], %gather3A_132 {strides = array<i32>} : memref<128xf32, #tpu.memory_space<vmem>>, vector<16xf32>,
    %get3A_135 = arith.constant 112 : index
    %get3A_136 = tpu.vector_load %arg5[%get3A_135] {strides = array<i32>} : memref<128xi32, #tpu.memory_space<vmem>>, vector<16xi32>,
    %and3A_137 = arith.constant 15 : i32
    %and3A_138 = vector.broadcast %and3A_137 : i32 to vector<16xi32>
    %and3A_139 = arith.andi %get3A_136, %and3A_138 : vector<16xi32>
    %add3A_140 = arith.constant 112 : i32
    %add3A_141 = vector.broadcast %add3A_140 : i32 to vector<16xi32>
    %add3A_142 = arith.addi %add3A_141, %iota3A : vector<16xi32>
    %gather3A_143 = tpu.vector_load_idx %arg7[%add3A_142, %and3A_139] : memref<128x16xf32, #tpu.memory_space<vmem>>[vector<16xi32>, vector<16xi32>], vector<16xf32>,
    %swap3A_144 = arith.constant 112 : index
    %swap3A_145 = tpu.vector_load %arg8[%swap3A_144] {strides = array<i32>} : memref<128xf32, #tpu.memory_space<vmem>>, vector<16xf32>,
    tpu.vector_store %arg8[%swap3A_144], %gather3A_143 {strides = array<i32>} : memref<128xf32, #tpu.memory_space<vmem>>, vector<16xf32>,
    "tpu.region"() ({
      %run_scoped3A = tpu.sem_alloc : memref<!tpu.dma_semaphore, #tpu.memory_space<semaphore_mem>>
      %dma_start3A_146 = tpu.memref_slice %arg4[%mul3A_2] : memref<4096xf32, #tpu.memory_space<hbm>> -> memref<128xf32, #tpu.memory_space<hbm>>
      %dma_start3A_147 = tpu.memref_slice %arg4[%mul3A_2] : memref<4096xf32, #tpu.memory_space<hbm>> -> memref<128xf32, #tpu.memory_space<hbm>>
      tpu.enqueue_dma source(%arg8 : memref<128xf32, #tpu.memory_space<vmem>>) target(%dma_start3A_147 : memref<128xf32, #tpu.memory_space<hbm>>) target_semaphore(%run_scoped3A : memref<!tpu.dma_semaphore, #tpu.memory_space<semaphore_mem>>)
      %dma_wait3A_148 = tpu.memref_slice %arg4[%mul3A_2] : memref<4096xf32, #tpu.memory_space<hbm>> -> memref<128xf32, #tpu.memory_space<hbm>>
      %dma_wait3A_149 = tpu.memref_slice %arg4[%mul3A_2] : memref<4096xf32, #tpu.memory_space<hbm>> -> memref<128xf32, #tpu.memory_space<hbm>>
      tpu.wait_dma2 semaphore(%run_scoped3A : memref<!tpu.dma_semaphore, #tpu.memory_space<semaphore_mem>>) src(%arg8 : memref<128xf32, #tpu.memory_space<vmem>>) dst(%dma_wait3A_149 : memref<128xf32, #tpu.memory_space<hbm>>)
      tpu.yield
    }) : () -> ()
    return
  }
}

module attributes {stable_mosaic.version = 14 : i64} {
  func.func @_tc_matvec(%arg0: i32, %arg1: memref<64x25600xf32, #tpu.memory_space<vmem>>, %arg2: memref<128xf32, #tpu.memory_space<vmem>>, %arg3: memref<64xf32, #tpu.memory_space<vmem>>, %arg4: memref<1xf32, #tpu.memory_space<vmem>>, %arg5: memref<200x128xf32, #tpu.memory_space<vmem>>) attributes {dimension_semantics = [#tpu.dimension_semantics<arbitrary>], iteration_bounds = array<i64: 4>, scalar_prefetch = 0 : i64, scratch_operands = 0 : i64, tpu.core_type = #tpu.core_type<tc>, window_params = [{transform_indices = @transform_0, window_bounds = array<i64: 64, 25600>}, {pipeline_mode = #tpu.pipeline_mode<synchronous>, transform_indices = @transform_1, window_bounds = array<i64: 128>}, {pipeline_mode = #tpu.pipeline_mode<synchronous>, transform_indices = @transform_2, window_bounds = array<i64: 64>}, {pipeline_mode = #tpu.pipeline_mode<synchronous>, transform_indices = @transform_3, window_bounds = array<i64: 1>}, {transform_indices = @transform_4, window_bounds = array<i64: 200, 128>}]} {
    %get3A = arith.constant 0 : index
    %get3A_0 = vector.load %arg3[%get3A] : memref<64xf32, #tpu.memory_space<vmem>>, vector<64xf32>
    %get3A_1 = arith.constant 0 : index
    %get3A_2 = vector.load %arg2[%get3A_1] : memref<128xf32, #tpu.memory_space<vmem>>, vector<64xf32>
    %mul3A = arith.mulf %get3A_0, %get3A_2 : vector<64xf32>
    %reduce_sum3A = vector.shape_cast %mul3A : vector<64xf32> to vector<1x64xf32>
    %reduce_sum3A_3 = arith.constant dense<0.000000e+00> : vector<1xf32>
    %reduce_sum3A_4 = vector.multi_reduction <add>, %reduce_sum3A, %reduce_sum3A_3 [1] : vector<1x64xf32> to vector<1xf32>
    %reduce_sum3A_5 = vector.shape_cast %reduce_sum3A_4 : vector<1xf32> to vector<1x1xf32>
    %reduce_sum3A_6 = vector.extract %reduce_sum3A_5[0, 0] : f32 from vector<1x1xf32>
    %get3A_7 = arith.constant 0 : index
    %get3A_8 = vector.load %arg4[%get3A_7] : memref<1xf32, #tpu.memory_space<vmem>>, vector<1xf32>
    %get3A_9 = vector.extract %get3A_8[0] : f32 from vector<1xf32>
    %add3A = arith.addf %reduce_sum3A_6, %get3A_9 : f32
    %get3A_10 = arith.constant 64 : index
    %get3A_11 = vector.load %arg2[%get3A_10] : memref<128xf32, #tpu.memory_space<vmem>>, vector<64xf32>
    %reshape3A = vector.shape_cast %get3A_11 : vector<64xf32> to vector<1x64xf32>
    %get3A_12 = arith.constant 0 : index
    %get3A_13 = arith.constant 0 : index
    %get3A_14 = vector.load %arg1[%get3A_12, %get3A_13] : memref<64x25600xf32, #tpu.memory_space<vmem>>, vector<64x25600xf32>
    %dot_general3A = arith.constant dense<0.000000e+00> : vector<1x25600xf32>
    %dot_general3A_15 = tpu.matmul %reshape3A, %get3A_14, %dot_general3A {dimension_numbers = #tpu.dot_dimension_numbers<[1], [0], [0], [1], [0, 0, 1, 1], [], []>, precision = #tpu.contract_precision<fp32>, transpose_lhs_hint = false} : vector<1x64xf32>, vector<64x25600xf32>, vector<1x25600xf32> -> vector<1x25600xf32>
    %add3A_16 = vector.broadcast %add3A : f32 to vector<1x25600xf32>
    %add3A_17 = arith.addf %dot_general3A_15, %add3A_16 : vector<1x25600xf32>
    %reshape3A_18 = vector.shape_cast %add3A_17 : vector<1x25600xf32> to vector<200x128xf32>
    %swap3A = arith.constant 0 : index
    %swap3A_19 = arith.constant 0 : index
    %swap3A_20 = vector.load %arg5[%swap3A, %swap3A_19] : memref<200x128xf32, #tpu.memory_space<vmem>>, vector<200x128xf32>
    tpu.vector_store %arg5[%swap3A, %swap3A_19], %reshape3A_18 {strides = array<i32>} : memref<200x128xf32, #tpu.memory_space<vmem>>, vector<200x128xf32>,
    return
  }
  func.func @transform_0(%arg0: i32) -> (i32, i32) {
    %c0_i32 = arith.constant 0 : i32
    %c0_i32_0 = arith.constant 0 : i32
    return %c0_i32, %arg0 : i32, i32
  }
  func.func @transform_1(%arg0: i32) -> i32 {
    %c0_i32 = arith.constant 0 : i32
    %c0_i32_0 = arith.constant 0 : i32
    return %c0_i32 : i32
  }
  func.func @transform_2(%arg0: i32) -> i32 {
    %c0_i32 = arith.constant 0 : i32
    %c0_i32_0 = arith.constant 0 : i32
    return %c0_i32 : i32
  }
  func.func @transform_3(%arg0: i32) -> i32 {
    %c0_i32 = arith.constant 0 : i32
    %c0_i32_0 = arith.constant 0 : i32
    return %c0_i32 : i32
  }
  func.func @transform_4(%arg0: i32) -> (i32, i32) {
    %c0_i32 = arith.constant 0 : i32
    %c0_i32_0 = arith.constant 0 : i32
    return %arg0, %c0_i32 : i32, i32
  }
}

</mosaic_0001>

<sc_bundles>
// kernel: kernel.4.cloned.1.call-start
scs
__scs_entry_jumppad:
0x0: {  	(pc) =	sbr.rel $0x88, $3  }
0x1: {  	(tag) =	ssettag $0x0;
	lr =	simm.s32 $0x1  }
0x2: {  	[smem:$0x3F9C] =	sst lr;
	_ =	strace $0xD0000000  }
0x3: {  	_ = 	snop  }
0x4: {  	_ = 	snop  }
0x5: {  	_ = 	snop  }
0x6: {  	_ = 	snop  }
0x7: {  	_ = 	snop  }
__scs_overlays_trampoline_lowered:
0x8: {  	[smem:$0x3FAB] =	sst s0  }
0x9: {  	[smem:$0x3FAC] =	sst s1  }
0xa: {  	[smem:$0x3FAD] =	sst s2  }
0xb: {  	[smem:$0x3FAE] =	sst s3  }
0xc: {  	[smem:$0x3FAF] =	sst s4  }
0xd: {  	[smem:$0x3FB0] =	sst s5  }
0xe: {  	[smem:$0x3FB1] =	sst s6  }
0xf: {  	[smem:$0x3FB2] =	sst s7  }
0x10: {  	[smem:$0x3FB3] =	sst s8  }
0x11: {  	[smem:$0x3FB4] =	sst s9;
	s0 =	simm.s32 @!p0 $0x0  }
0x12: {  	s1 =	sld [smem:$0x3F9A];
	s0 =	simm.s32 @p0 $0x1  }
0x13: {  	[smem:$0x3FB5] =	sst s0;
	s0 =	simm.s32 @!p1 $0x0  }
0x14: {  	s2 =	sld [smem:$0x3F99];
	s0 =	simm.s32 @p1 $0x1  }
0x15: {  	[smem:$0x3FB6] =	sst s0;
	s0 =	simm.s32 @!p2 $0x0  }
0x16: {  	s3 =	sld [smem:$0x3FDB];
	s0 =	simm.s32 @p2 $0x1  }
0x17: {  	s4 =	simm.s32 $0x1BF5;
	[smem:$0x3FB8] =	sst s0  }
0x18: {  	s0 =	sld [smem:$0x3F9B];
	_ =	swait.ge [sflag:s4], $0x0  }
0x19: {  	s7 =	sld [smem:$0x3F9C]  }
0x1a: {  	s8 =	sadd.s32 $0xFFFFE003, lr  }
0x1b: {  	s9 =	sadd.s32 $0xFFFFFEF7, lr;
	s5 =	simm.s32 $0xFFFFFFFF;
	p2 =	slt.u32 s8, $0xFFFFF086  }
0x1c: {  	p1 =	slt.u32 s9, $0xF7A;
	s5 =	simm.s32 @!p2 $0x0  }
0x1d: {  	s5 =	simm.s32 @p1 $0x1;
	p0 =	seq.s32 s7, s2  }
0x1e: {  	s7 =	smul.u32 @!p0 $0xF7A, s2;
	p2 =	seq.s32 @!p0 s5, $0x0  }
0x1f: {  	s9 =	smul.u32 $0xF7A, s1;
	s8 =	simm.s32 @!p0 $0x1BF5;
	p2 =	por !p2, p0  }
0x20: {  	[sflag:s8] =	ssyncset.s32 @!p0 $0xFFFFF086;
	s6 =	sadd.s32 @!p0 s3, s7;
	s7 =	simm.s32 @!p0 $0x108  }
0x21: {  	s3 =	sadd.s32 s3, s9;
	s6 =	sadd.s32 @!p0 $0x88, s6;
	s7 =	simm.s32 @p2 $0x1082  }
0x22: {  	[simem:s7], [sflag:s8] =	dma.local @!p0 [hbm:s6], $0xF7A  }
0x23: {  	s9 =	sor.u32 $0xD0000000, s2;
	s6 =	simm.s32 $0x108;
	_ =	swait.ge @!p0 [sflag:s8], $0x0  }
0x24: {  	s3 =	sadd.s32 $0x88, s3;
	s6 =	simm.s32 @!p1 $0x1082;
	[sflag:s4] =	ssyncset.s32 $0xFFFFF086  }
0x25: {  	[simem:s6], [sflag:s4] =	dma.local [hbm:s3], $0xF7A  }
0x26: {  	[smem:$0x3F9C] =	sst s1;
	(tag) =	ssettag s2;
	_ =	strace s9  }
0x27: {  	s1 =	sld [smem:$0x3FAC]  }
0x28: {  	s2 =	sld [smem:$0x3FAD]  }
0x29: {  	s4 =	sld [smem:$0x3FAF]  }
0x2a: {  	p0 =	seq.s32 s5, $0x0;
	s5 =	sld [smem:$0x3FB0]  }
0x2b: {  	s6 =	sld [smem:$0x3FB1]  }
0x2c: {  	s7 =	sld [smem:$0x3FB2]  }
0x2d: {  	s3 =	simm.s32 $0x108;
	s8 =	sld [smem:$0x3FB3]  }
0x2e: {  	s3 =	simm.s32 @!p0 $0x1082;
	s9 =	sld [smem:$0x3FB4]  }
0x2f: {  	lr =	sadd.s32 s0, s3;
	s0 =	sld [smem:$0x3FAB]  }
0x30: {  	s3 =	sld [smem:$0x3FAE]  }
0x31: {  	[smem:$0x3FB7] =	sst s10  }
0x32: {  	s10 =	sld [smem:$0x3FB5];
	_ =	sdelay $0x3  }
0x33: {  	p0 =	seq.s32 s10, $0x1;
	s10 =	sld [smem:$0x3FB7];
	_ =	sdelay $0x3  }
0x34: {  	[smem:$0x3FB7] =	sst s10  }
0x35: {  	s10 =	sld [smem:$0x3FB6];
	_ =	sdelay $0x3  }
0x36: {  	p1 =	seq.s32 s10, $0x1;
	s10 =	sld [smem:$0x3FB7];
	_ =	sdelay $0x3  }
0x37: {  	[smem:$0x3FB7] =	sst s10  }
0x38: {  	s10 =	sld [smem:$0x3FB8]  }
0x39: {  	_ = 	snop;
	(pc) =	sbr.ind lr, $3  }
0x3a: {  	_ = 	snop  }
0x3b: {  	_ = 	snop  }
0x3c: {  	p2 =	seq.s32 s10, $0x1;
	s10 =	sld [smem:$0x3FB7]  }
0x3d: {  	_ =	shalt  }
0x3e: {  	_ =	shalt  }
0x3f: {  	_ =	shalt  }
0x40: {  	_ =	shalt  }
0x41: {  	_ =	shalt  }
0x42: {  	_ =	shalt  }
0x43: {  	_ =	shalt  }
0x44: {  	_ =	shalt  }
0x45: {  	_ =	shalt  }
0x46: {  	_ =	shalt  }
0x47: {  	_ =	shalt  }
0x48: {  	_ =	shalt  }
0x49: {  	_ =	shalt  }
0x4a: {  	_ =	shalt  }
0x4b: {  	_ =	shalt  }
0x4c: {  	_ =	shalt  }
0x4d: {  	_ =	shalt  }
0x4e: {  	_ =	shalt  }
0x4f: {  	_ =	shalt  }
0x50: {  	_ =	shalt  }
0x51: {  	_ =	shalt  }
0x52: {  	_ =	shalt  }
0x53: {  	_ =	shalt  }
0x54: {  	_ =	shalt  }
0x55: {  	_ =	shalt  }
0x56: {  	_ =	shalt  }
0x57: {  	_ =	shalt  }
0x58: {  	_ =	shalt  }
0x59: {  	_ =	shalt  }
0x5a: {  	_ =	shalt  }
0x5b: {  	_ =	shalt  }
0x5c: {  	_ =	shalt  }
0x5d: {  	_ =	shalt  }
0x5e: {  	_ =	shalt  }
0x5f: {  	_ =	shalt  }
0x60: {  	_ =	shalt  }
0x61: {  	_ =	shalt  }
0x62: {  	_ =	shalt  }
0x63: {  	_ =	shalt  }
0x64: {  	_ =	shalt  }
0x65: {  	_ =	shalt  }
0x66: {  	_ =	shalt  }
0x67: {  	_ =	shalt  }
0x68: {  	_ =	shalt  }
0x69: {  	_ =	shalt  }
0x6a: {  	_ =	shalt  }
0x6b: {  	_ =	shalt  }
0x6c: {  	_ =	shalt  }
0x6d: {  	_ =	shalt  }
0x6e: {  	_ =	shalt  }
0x6f: {  	_ =	shalt  }
0x70: {  	_ =	shalt  }
0x71: {  	_ =	shalt  }
0x72: {  	_ =	shalt  }
0x73: {  	_ =	shalt  }
0x74: {  	_ =	shalt  }
0x75: {  	_ =	shalt  }
0x76: {  	_ =	shalt  }
0x77: {  	_ =	shalt  }
0x78: {  	_ =	shalt  }
0x79: {  	_ =	shalt  }
0x7a: {  	_ =	shalt  }
0x7b: {  	_ =	shalt  }
0x7c: {  	_ =	shalt  }
0x7d: {  	_ =	shalt  }
0x7e: {  	_ =	shalt  }
0x7f: {  	_ =	shalt  }
0x80: {  	_ =	shalt  }
0x81: {  	_ =	shalt  }
0x82: {  	_ =	shalt  }
0x83: {  	_ =	shalt  }
0x84: {  	_ =	shalt  }
0x85: {  	_ =	shalt  }
0x86: {  	_ =	shalt  }
0x87: {  	_ =	shalt  }
.Lfunc_end0:
.L_simem_size_0:
called_computation_lowered:
.L_overlay_start_0:
0x88: {  	s2 =	sld [smem:$0x3FD9]  }
0x89: {  	s3 =	sld [smem:$0x3FFE];
	_ =	sdelay $0x1  }
0x8a: {  	s1 =	srdreg.scid  }
0x8b: {  	s0 =	sand.u32 $0x1, s1  }
0x8c: {  	s17 =	sshll.u32 s0, $0xA;
	s2 =	sadd.s32 s3, s2  }
0x8d: {  	s2 =	sadd.s32 s2, s17  }
0x8e: {  	[smem:$0x3FC3] =	sst s2  }
0x8f: {  	_ = 	snop  }
0x90: {  	s2 =	sld [smem:$0x3FC9]  }
0x91: {  	s18 =	sld [smem:$0x3FD0];
	(tm) =	ssettm $0x1  }
0x92: {  	s4 =	sld [smem:$0x3FFB];
	_ =	sdelay $0x3  }
0x93: {  	_ =	strace s4  }
0x94: {  	s4 =	sld [smem:$0x3FFC];
	_ =	sdelay $0x3  }
0x95: {  	_ =	strace s4  }
0x96: {  	s4 =	sld [smem:$0x3FFD];
	_ =	sdelay $0x3  }
0x97: {  	_ =	strace s4  }
0x98: {  	_ =	strace $0x8FFFFFFF  }
0x99: {  	s19 =	sld [smem:$0x3FDB];
	_ =	sdelay $0x1  }
0x9a: {  	s5 =	simm.s32 $_scs_section_size  }
0x9b: {  	s6 =	simm.s32 $_size__tile_overlayer_lowered;
	s7 =	simm.s32 $_tile_overlayer_lowered  }
0x9c: {  	s22 =	simm.s32 $0x1BFF;
	s21 =	sshll.u32 s7, $0x1;
	s4 =	sadd.s32 s5, s19  }
0x9d: {  	s8 =	simm.s32 $0x0;
	s20 =	sshll.u32 s6, $0x1;
	s6 =	sadd.s32 s21, s4  }
0x9e: {  	[timem:s8], [sflag:s22] =	dma.local [hbm:s6], s20  }
0x9f: {  	_ =	swait.ge [sflag:s22], s20  }
0xa0: {  	s5 =	ssub.s32 $0x0, s20;
	[sflag:s22] =	ssyncset.done $0x0  }
0xa1: {  	[sflag:s22] =	ssyncadd.s32 s5;
	_ =	sdelay $0x1  }
0xa2: {  	s23 =	simm.s32 $0x1B8B  }
0xa3: {  	_ =	swait.ge [sflag:s23], $0x1  }
0xa4: {  	[sflag:s23] =	ssyncset.done $0x0  }
0xa5: {  	s25 =	simm.s32 $0x1B8E;
	s24 =	sld [smem:$0x3FFE];
	[sflag:s23] =	ssyncadd.s32 $0xFFFFFFFF  }
0xa6: {  	s26 =	simm.s32 $execute0_lowered;
	[smem:$0x3FD2] =	sst s25  }
0xa7: {  	s6 =	sshll.u32 s26, $0x1;
	_ =	strace $0x80000046;
	[dreg:$0x1] =	wrdreg $0xFFFFFFFF  }
0xa8: {  	s28 =	simm.s32 $_size_execute0_lowered;
	s4 =	sadd.s32 s4, s6;
	[dreg:$0x0] =	wrdreg $0x0  }
0xa9: {  	s6 =	sshll.u32 s28, $0x1;
	[dreg:$0x2] =	wrdreg s4  }
0xaa: {  	[dreg:$0x3] =	wrdreg s6  }
0xab: {  	[dreg:$0x4] =	wrdreg $0xC0  }
0xac: {  	_ =	task [dreg:s8], $0x5FFFF  }
0xad: {  	[dreg:$0x1] =	wrdreg $0xFFFFFFFF  }
0xae: {  	[dreg:$0x0] =	wrdreg $0x60  }
0xaf: {  	[dreg:$0x2] =	wrdreg s2  }
0xb0: {  	[dreg:$0x3] =	wrdreg s24  }
0xb1: {  	[dreg:$0x4] =	wrdreg s18  }
0xb2: {  	[dreg:$0x5] =	wrdreg $0x9  }
0xb3: {  	_ =	task.clear_ibuf [dreg:s8], $0x6FFFF;
	_ =	strace $0x90000046  }
0xb4: {  	s29 =	simm.s32 $0x9;
	_ =	strace $0x80000048  }
0xb5: {  	_ =	swait.ge [sflag:s29], $0x1  }
0xb6: {  	[sflag:s29] =	ssyncadd.s32 $0xFFFFFFFF  }
0xb7: {  	_ =	strace $0x90000048  }
0xb8: {  	_ =	sfence  }
0xb9: {  	s30 =	sld [smem:$0x0];
	_ =	sdelay $0x2  }
0xba: {  	s31 =	sshll.u32 s1, $0xD;
	s1 =	sshrl.u32 s1, $0x2  }
0xbb: {  	s3 =	sand.u32 $0x4000, s31;
	s1 =	sadd.s32 s1, s30  }
0xbc: {  	s0 =	sor.u32 s3, s0;
	s1 =	sshll.u32 s1, $0x11  }
0xbd: {  	s0 =	sor.u32 s1, s0  }
0xbe: {  	s0 =	sadd.s32 $0x8F2B, s0  }
0xbf: {  	[sflag:s0] =	ssyncadd.remote.s32 $0x1  }
0xc0: {  	_ =	sfence.sel $0xFFFF  }
0xc1: {  	[dreg:$0x0] =	wrdreg $0xFFFFFFFF;
	(pc) =	sbr.abs _section_cstart, $3  }
0xc2: {  	[dreg:$0x1] =	wrdreg $0xFFFFFFFF  }
0xc3: {  	_ =	task.clear_ibuf [dreg:s8], $0x2FFFF;
	_ =	strace $0x9FFFFFFF  }
0xc4: {  	(tm) =	ssettm $0x7FFFFFFF  }
0xc5: {  	_ =	shalt  }
tec
execute0_lowered:
.L_overlay_start_1:
0x0: {  	(tag) =	ssettag $0x1  }
0x1: {  	s3 =	rddreg [dreg:$0x0]  }
0x2: {  	s5 =	rddreg [dreg:$0x1]  }
0x3: {  	s9 =	rddreg [dreg:$0x2];
	s2 =	srdreg.scid  }
0x4: {  	s0 =	rddreg [dreg:$0x3];
	s1 =	stileid.u32;
	s11 =	sand.u32 $0x1, s2  }
0x5: {  	s2 =	simm.s32 $0x0;
	s4 =	sshll.u32 s1, $0x5;
	s6 =	sshll.u32 s11, $0x4  }
0x6: {  	[smem:$0x7FF] =	sst s2;
	s10 =	sor.u32 s6, s4  }
0x7: {  	_ =	strace $0x80000047;
	s4 =	sadd.s32 s3, s10;
	s3 =	simm.s32 $0x2  }
0x8: {  	[tilespmem:s2], [sflag:$0x2] =	stream.linear.gather [hbm4b:s4+s2], $0x80, $0x38;
	[tilespmem:$0x980] =	vst v63  }
0x9: {  	_ =	swait.ge [sflag:s3], $0x80  }
0xa: {  	[sflag:s3] =	ssyncset.done $0x0  }
0xb: {  	[sflag:s3] =	ssyncadd.s32 $0xFFFFFF80  }
0xc: {  	v0 =	vld [tilespmem:$0x70]  }
0xd: {  	v1 =	vld [tilespmem:$0x30]  }
0xe: {  	v2 =	vld [tilespmem:$0x50]  }
0xf: {  	v4 =	vld [tilespmem:$0x20]  }
0x10: {  	v3 =	vld [tilespmem:$0x60]  }
0x11: {  	v5 =	vld [tilespmem:$0x10];
	v0 =	vshrl.u32 v0, $0x4  }
0x12: {  	v6 =	vld [tilespmem:$0x40];
	v1 =	vshrl.u32 v1, $0x4;
	[tilespmem:$0xF0] =	vst v0  }
0x13: {  	v0 =	vld [tilespmem:$0x0];
	[tilespmem:$0xB0] =	vst v1;
	v1 =	vshrl.u32 v2, $0x4  }
0x14: {  	v2 =	vshrl.u32 v4, $0x4;
	[tilespmem:$0xD0] =	vst v1  }
0x15: {  	v1 =	vshrl.u32 v3, $0x4;
	[tilespmem:$0xA0] =	vst v2  }
0x16: {  	[tilespmem:$0xE0] =	vst v1;
	v1 =	vshrl.u32 v5, $0x4  }
0x17: {  	[tilespmem:$0x90] =	vst v1;
	v1 =	vshrl.u32 v6, $0x4  }
0x18: {  	s7 =	simm.s32 $0x100;
	[tilespmem:$0xC0] =	vst v1;
	v0 =	vshrl.u32 v0, $0x4  }
0x19: {  	s8 =	simm.s32 $0x1;
	s5 =	sadd.s32 $0xA00, s5;
	s6 =	simm.s32 $0x80;
	[tilespmem:$0x80] =	vst v0  }
0x1a: {  	[tilespmem:s7], [sflag:$0x1] =	stream.indirect.gather [hbm4b:s5+s6], $0x10, s6, s6, $0xb8;
	[tilespmem:$0x980] =	vst v63  }
0x1b: {  	_ =	swait.ge [sflag:s8], $0x800  }
0x1c: {  	[sflag:s8] =	ssyncset.done $0x0  }
0x1d: {  	[sflag:s8] =	ssyncadd.s32 $0xFFFFF800  }
0x1e: {  	v1 =	vld [tilespmem:$0x0];
	_ =	sdelay $0x2  }
0x1f: {  	v0 =	vlaneseq.u32  }
0x20: {  	v0 =	vmul.u32 $0x10, v0  }
0x21: {  	v1 =	vand.u32 $0xF, v1  }
0x22: {  	v2 =	vld [tilespmem:$0x10];
	v3 =	vor.u32 v0, v1;
	_ =	sdelay $0x4  }
0x23: {  	v2 =	vand.u32 $0xF, v2;
	v1 =	vor.u32 $0x100, v0;
	v3 =	vld.idx.msk [tilespmem:v3+s7+$0x0], $0xffff  }
0x24: {  	v4 =	vld [tilespmem:$0x20];
	v5 =	vor.u32 v1, v2;
	_ =	sdelay $0x3  }
0x25: {  	[tilespmem:$0x900] =	vst v3  }
0x26: {  	v2 =	vor.u32 $0x200, v0;
	v3 =	vand.u32 $0xF, v4;
	v4 =	vld.idx.msk [tilespmem:v5+s7+$0x0], $0xffff  }
0x27: {  	v5 =	vld [tilespmem:$0x30];
	v6 =	vor.u32 v2, v3;
	_ =	sdelay $0x3  }
0x28: {  	[tilespmem:$0x910] =	vst v4  }
0x29: {  	v3 =	vor.u32 $0x300, v0;
	v4 =	vand.u32 $0xF, v5;
	v5 =	vld.idx.msk [tilespmem:v6+s7+$0x0], $0xffff  }
0x2a: {  	v6 =	vld [tilespmem:$0x40];
	v7 =	vor.u32 v3, v4;
	_ =	sdelay $0x3  }
0x2b: {  	[tilespmem:$0x920] =	vst v5  }
0x2c: {  	v4 =	vor.u32 $0x400, v0;
	v5 =	vand.u32 $0xF, v6;
	v6 =	vld.idx.msk [tilespmem:v7+s7+$0x0], $0xffff  }
0x2d: {  	v7 =	vld [tilespmem:$0x50];
	v8 =	vor.u32 v4, v5;
	_ =	sdelay $0x3  }
0x2e: {  	[tilespmem:$0x930] =	vst v6  }
0x2f: {  	v5 =	vor.u32 $0x500, v0;
	v6 =	vand.u32 $0xF, v7;
	v7 =	vld.idx.msk [tilespmem:v8+s7+$0x0], $0xffff  }
0x30: {  	v8 =	vld [tilespmem:$0x60];
	v9 =	vor.u32 v5, v6;
	_ =	sdelay $0x3  }
0x31: {  	[tilespmem:$0x940] =	vst v7  }
0x32: {  	v6 =	vor.u32 $0x600, v0;
	v7 =	vand.u32 $0xF, v8;
	v8 =	vld.idx.msk [tilespmem:v9+s7+$0x0], $0xffff  }
0x33: {  	v9 =	vld [tilespmem:$0x70];
	v10 =	vor.u32 v6, v7;
	_ =	sdelay $0x1  }
0x34: {  	s11 =	ssub.s32 $0x2, s11  }
0x35: {  	s12 =	sshrl.u32 s11, $0x1  }
0x36: {  	s11 =	ssub.s32 s11, s12;
	[tilespmem:$0x950] =	vst v8  }
0x37: {  	s11 =	smax.u32 s11, $0x1;
	v7 =	vor.u32 $0x700, v0;
	v8 =	vand.u32 $0xF, v9;
	v9 =	vld.idx.msk [tilespmem:v10+s7+$0x0], $0xffff  }
0x38: {  	p0 =	sne.s32 s11, $0x1;
	v8 =	vor.u32 v7, v8  }
.Ltmp0:
0x39: {  	_ = 	snop;
	(pc) =	sbr.rel @!p0 .LBB2_2-.Ltmp0, $3  }
0x3a: {  	_ =	sdelay $0x1  }
0x3b: {  	[tilespmem:$0x960] =	vst v9  }
0x3c: {  	s9 =	sadd.s32 s9, s10;
	s10 =	simm.s32 $0x900;
	s11 =	sadd.s32 $0xFFFFFFFF, s11;
	v8 =	vld.idx.msk [tilespmem:v8+s7+$0x0], $0xffff  }
.LBB2_1:
0x3d: {  	_ = 	snop  }
0x3e: {  	p0 =	sne.s32 s11, $0x1;
	s11 =	sadd.s32 $0xFFFFFFFF, s11;
	_ =	sdelay $0x2  }
0x3f: {  	[tilespmem:$0x970] =	vst v8  }
0x40: {  	[hbm4b:s9+s2] =	stream.linear.scatter [tilespmem:s10], [sflag:$0x2], $0x80, $0x38;
	[tilespmem:$0x980] =	vst v63  }
0x41: {  	_ =	swait.ge [sflag:s3], $0x80  }
0x42: {  	[sflag:s3] =	ssyncset.done $0x0  }
0x43: {  	[sflag:s3] =	ssyncadd.s32 $0xFFFFFF80  }
0x44: {  	[tilespmem:s2], [sflag:$0x2] =	stream.linear.gather [hbm4b:s4+s2], $0x80, $0x38;
	[tilespmem:$0x980] =	vst v63  }
0x45: {  	_ =	swait.ge [sflag:s3], $0x80  }
0x46: {  	[sflag:s3] =	ssyncset.done $0x0  }
0x47: {  	[sflag:s3] =	ssyncadd.s32 $0xFFFFFF80  }
0x48: {  	v8 =	vld [tilespmem:$0x70]  }
0x49: {  	v9 =	vld [tilespmem:$0x30]  }
0x4a: {  	v10 =	vld [tilespmem:$0x50]  }
0x4b: {  	v11 =	vld [tilespmem:$0x60]  }
0x4c: {  	v12 =	vld [tilespmem:$0x20]  }
0x4d: {  	v13 =	vld [tilespmem:$0x10];
	v8 =	vshrl.u32 v8, $0x4  }
0x4e: {  	v9 =	vshrl.u32 v9, $0x4;
	v14 =	vld [tilespmem:$0x40];
	[tilespmem:$0xF0] =	vst v8  }
0x4f: {  	v8 =	vld [tilespmem:$0x0];
	[tilespmem:$0xB0] =	vst v9;
	v9 =	vshrl.u32 v10, $0x4  }
0x50: {  	[tilespmem:$0xD0] =	vst v9;
	v9 =	vshrl.u32 v11, $0x4  }
0x51: {  	v10 =	vshrl.u32 v12, $0x4;
	[tilespmem:$0xE0] =	vst v9  }
0x52: {  	v9 =	vshrl.u32 v13, $0x4;
	[tilespmem:$0xA0] =	vst v10  }
0x53: {  	[tilespmem:$0x90] =	vst v9;
	v9 =	vshrl.u32 v14, $0x4  }
0x54: {  	v8 =	vshrl.u32 v8, $0x4;
	[tilespmem:$0xC0] =	vst v9  }
0x55: {  	[tilespmem:$0x80] =	vst v8  }
0x56: {  	[tilespmem:s7], [sflag:$0x1] =	stream.indirect.gather [hbm4b:s5+s6], $0x10, s6, s6, $0xb8;
	[tilespmem:$0x980] =	vst v63  }
0x57: {  	_ =	swait.ge [sflag:s8], $0x800  }
0x58: {  	[sflag:s8] =	ssyncset.done $0x0  }
0x59: {  	[sflag:s8] =	ssyncadd.s32 $0xFFFFF800  }
0x5a: {  	v8 =	vld [tilespmem:$0x0]  }
0x5b: {  	v9 =	vld [tilespmem:$0x10]  }
0x5c: {  	v10 =	vld [tilespmem:$0x20]  }
0x5d: {  	v11 =	vld [tilespmem:$0x30]  }
0x5e: {  	v12 =	vld [tilespmem:$0x40]  }
0x5f: {  	v8 =	vand.u32 $0xF, v8;
	v13 =	vld [tilespmem:$0x50]  }
0x60: {  	v8 =	vor.u32 v0, v8;
	v9 =	vand.u32 $0xF, v9;
	v14 =	vld [tilespmem:$0x60]  }
0x61: {  	v10 =	vand.u32 $0xF, v10;
	v15 =	vld [tilespmem:$0x70]  }
0x62: {  	v11 =	vand.u32 $0xF, v11  }
0x63: {  	v12 =	vand.u32 $0xF, v12  }
0x64: {  	v13 =	vand.u32 $0xF, v13  }
0x65: {  	v8 =	vld.idx.msk [tilespmem:v8+s7+$0x0], $0xffff;
	v14 =	vand.u32 $0xF, v14  }
0x66: {  	v15 =	vand.u32 $0xF, v15  }
0x67: {  	v9 =	vor.u32 v1, v9;
	_ =	sdelay $0x3  }
0x68: {  	[tilespmem:$0x900] =	vst v8  }
0x69: {  	v8 =	vld.idx.msk [tilespmem:v9+s7+$0x0], $0xffff;
	_ =	sdelay $0x1  }
0x6a: {  	v9 =	vor.u32 v2, v10;
	_ =	sdelay $0x3  }
0x6b: {  	[tilespmem:$0x910] =	vst v8  }
0x6c: {  	v8 =	vld.idx.msk [tilespmem:v9+s7+$0x0], $0xffff;
	_ =	sdelay $0x1  }
0x6d: {  	v9 =	vor.u32 v3, v11;
	_ =	sdelay $0x3  }
0x6e: {  	[tilespmem:$0x920] =	vst v8  }
0x6f: {  	v8 =	vld.idx.msk [tilespmem:v9+s7+$0x0], $0xffff;
	_ =	sdelay $0x1  }
0x70: {  	v9 =	vor.u32 v4, v12;
	_ =	sdelay $0x3  }
0x71: {  	[tilespmem:$0x930] =	vst v8  }
0x72: {  	v8 =	vld.idx.msk [tilespmem:v9+s7+$0x0], $0xffff;
	_ =	sdelay $0x1  }
0x73: {  	v9 =	vor.u32 v5, v13;
	_ =	sdelay $0x3  }
0x74: {  	[tilespmem:$0x940] =	vst v8  }
0x75: {  	v8 =	vld.idx.msk [tilespmem:v9+s7+$0x0], $0xffff;
	_ =	sdelay $0x1  }
0x76: {  	v9 =	vor.u32 v6, v14;
	_ =	sdelay $0x3  }
0x77: {  	[tilespmem:$0x950] =	vst v8  }
0x78: {  	v8 =	vld.idx.msk [tilespmem:v9+s7+$0x0], $0xffff;
	_ =	sdelay $0x1  }
0x79: {  	v9 =	vor.u32 v7, v15  }
.Ltmp1:
0x7a: {  	(pc) =	sbr.rel @p0 .LBB2_1-.Ltmp1, $3  }
0x7b: {  	_ =	sdelay $0x1  }
0x7c: {  	[tilespmem:$0x960] =	vst v8  }
0x7d: {  	v8 =	vld.idx.msk [tilespmem:v9+s7+$0x0], $0xffff  }
.LBB2_2:
0x7e: {  	_ =	sdelay $0x3  }
0x7f: {  	[tilespmem:$0x970] =	vst v8  }
0x80: {  	[hbm4b:s9+s2] =	stream.linear.scatter [tilespmem:s10], [sflag:$0x2], $0x80, $0x38;
	[tilespmem:$0x980] =	vst v63  }
0x81: {  	_ =	swait.ge [sflag:s3], $0x80  }
0x82: {  	[sflag:s3] =	ssyncset.done $0x0  }
0x83: {  	[sflag:s3] =	ssyncadd.s32 $0xFFFFFF80  }
0x84: {  	_ =	sfence.sel $0x180000  }
0x85: {  	[bflag:$0x0] =	sbarrier.arrive $0xFFFF  }
0x86: {  	p0 =	sne.s32 s1, $0x0;
	_ =	strace $0x90000047  }
0x87: {  	s0 =	sadd.s32 @!p0 $0x100000, s0;
	[bflag:$0x2] =	sbarrier.arrive $0xFFFF  }
0x88: {  	[sflag:s0] =	ssyncadd.tile.s32 @!p0 $0x1;
	_ =	shalt  }
.Lfunc_end2:
_tile_overlayer_lowered:
.L_overlay_start_2:
0x89: {  	(tag) =	ssettag $0x2  }
0x8a: {  	s0 =	rddreg [dreg:$0x0];
	s2 =	stileid.u32  }
0x8b: {  	s1 =	rddreg [dreg:$0x1];
	p0 =	sne.s32 s2, $0x0  }
0x8c: {  	s3 =	rddreg [dreg:$0x2];
	[bflag:$0x3] =	sbarrier.arrive $0xFFFF;
	s2 =	simm.s32 @!p0 $0x1C02  }
0x8d: {  	[timem:s3], [sflag:s2] =	dma.local @!p0 [hbm:s0], s1  }
0x8e: {  	s0 =	simm.s32 @!p0 $0x2  }
0x8f: {  	_ =	swait.ge @!p0 [sflag:s0], s1  }
0x90: {  	s1 =	ssub.s32 @!p0 $0x0, s1;
	[sflag:s0] =	ssyncset.done @!p0 $0x0  }
0x91: {  	[sflag:s0] =	ssyncadd.s32 @!p0 s1  }
0x92: {  	[bflag:$0x3] =	sbarrier.arrive $0xFFFF  }
0x93: {  	_ =	shalt  }

</sc_bundles>
